<compile_context>
chip_gen: v7x
topology: tpu7x:2x2x1
jax: 0.10.2.dev20260603
libtpu: 0.0.44.dev20260713+nightly
codegen_flags: <defaults>
</compile_context>

<pallas_src>
import jax
import jax.numpy as jnp
from jax.experimental import pallas as pl
from jax.experimental.pallas import tpu as pltpu

_B, _N, _G, _K = 8, 16384, 256, 32
_GT = 32
_NS = 128
_NL = 128



def _fps_kernel(px_ref, py_ref, pz_ref, cx_ref, cy_ref, cz_ref, dists_ref):
    idxf = (jax.lax.broadcasted_iota(jnp.int32, (1, _NS, _NL), 1) * _NL
            + jax.lax.broadcasted_iota(jnp.int32, (1, _NS, _NL), 2)
            ).astype(jnp.float32)
    px = px_ref[...]
    py = py_ref[...]
    pz = pz_ref[...]
    dists_ref[...] = jnp.full((_B, _NS, _NL), 1e10, jnp.float32)
    lane_g = jax.lax.broadcasted_iota(jnp.int32, (_B, _G), 1)

    def body(g, carry):
        cx, cy, cz, ax, ay, az = carry
        onehot = lane_g == g
        ax = jnp.where(onehot, cx.reshape(_B, 1), ax)
        ay = jnp.where(onehot, cy.reshape(_B, 1), ay)
        az = jnp.where(onehot, cz.reshape(_B, 1), az)
        dx = px - cx
        dy = py - cy
        dz = pz - cz
        d = dx * dx + dy * dy + dz * dz
        dn = jnp.minimum(dists_ref[...], d)
        dists_ref[...] = dn
        m = jnp.max(jnp.max(dn, axis=2, keepdims=True), axis=1, keepdims=True)
        eq = dn == m
        sel = jnp.min(jnp.min(jnp.where(eq, idxf, 3e7), axis=2, keepdims=True),
                      axis=1, keepdims=True)
        eq2 = idxf == sel
        zero = jnp.zeros((), jnp.float32)
        cxn = jnp.sum(jnp.sum(jnp.where(eq2, px, zero), axis=2, keepdims=True),
                      axis=1, keepdims=True)
        cyn = jnp.sum(jnp.sum(jnp.where(eq2, py, zero), axis=2, keepdims=True),
                      axis=1, keepdims=True)
        czn = jnp.sum(jnp.sum(jnp.where(eq2, pz, zero), axis=2, keepdims=True),
                      axis=1, keepdims=True)
        return (cxn, cyn, czn, ax, ay, az)

    cx0 = px_ref[:, 0:1, 0:1]
    cy0 = py_ref[:, 0:1, 0:1]
    cz0 = pz_ref[:, 0:1, 0:1]
    acc0 = jnp.zeros((_B, _G), jnp.float32)
    _, _, _, ax, ay, az = jax.lax.fori_loop(
        0, _G, body, (cx0, cy0, cz0, acc0, acc0, acc0))
    cx_ref[...] = ax
    cy_ref[...] = ay
    cz_ref[...] = az


def _fps_centers(p):
    px = p[:, :, 0].reshape(_B, _NS, _NL)
    py = p[:, :, 1].reshape(_B, _NS, _NL)
    pz = p[:, :, 2].reshape(_B, _NS, _NL)
    cx, cy, cz = pl.pallas_call(
        _fps_kernel,
        out_shape=[jax.ShapeDtypeStruct((_B, _G), jnp.float32)] * 3,
        scratch_shapes=[pltpu.VMEM((_B, _NS, _NL), jnp.float32)],
    )(px, py, pz)
    return cx, cy, cz



def _mlp_block(npos8_ref, c8_ref, w0_ref, b0_ref, w1a_ref, w1b_ref, b1_ref,
               wp_ref, bp_ref, out_ref):
    npos = npos8_ref[...]
    c8 = c8_ref[...]
    rel = (npos.reshape(_GT, _K, 8) - c8[:, None, :]).reshape(_GT * _K, 8)
    nf = jnp.maximum(
        jnp.dot(npos, w0_ref[...], preferred_element_type=jnp.float32)
        + b0_ref[...], 0.0)
    h = jnp.maximum(
        jnp.dot(nf, w1a_ref[...], preferred_element_type=jnp.float32)
        + jnp.dot(rel, w1b_ref[...], preferred_element_type=jnp.float32)
        + b1_ref[...], 0.0)
    h = h.reshape(_GT, _K, 192)
    tok = jnp.concatenate([jnp.max(h, axis=1), jnp.mean(h, axis=1)], axis=-1)
    out_ref[...] = (jnp.dot(tok, wp_ref[...], preferred_element_type=jnp.float32)
                    + bp_ref[...])


def kernel(p, W0, b0, W1, b1, Wp, bp):
    cx, cy, cz = _fps_centers(p)
    center = jnp.stack([cx, cy, cz], axis=-1)

    d2 = (jnp.sum(center ** 2, -1)[:, :, None]
          + jnp.sum(p ** 2, -1)[:, None, :]
          - 2.0 * jnp.einsum('bgc,bnc->bgn', center, p))
    neighbor_idx = jax.lax.top_k(-d2, _K)[1]
    npos = jax.vmap(lambda pts, idx: pts[idx])(p, neighbor_idx)

    npos8 = jnp.pad(npos.reshape(_B * _G * _K, 3), ((0, 0), (0, 5)))
    c8 = jnp.pad(center.reshape(_B * _G, 3), ((0, 0), (0, 5)))
    W1a = W1[:96]
    W1b = jnp.pad(W1[96:99], ((0, 5), (0, 0)))

    out = pl.pallas_call(
        _mlp_block,
        grid=(_B * _G // _GT,),
        in_specs=[
            pl.BlockSpec((_GT * _K, 8), lambda i: (i, 0)),
            pl.BlockSpec((_GT, 8), lambda i: (i, 0)),
            pl.BlockSpec((8, 96), lambda i: (0, 0)),
            pl.BlockSpec((1, 96), lambda i: (0, 0)),
            pl.BlockSpec((96, 192), lambda i: (0, 0)),
            pl.BlockSpec((8, 192), lambda i: (0, 0)),
            pl.BlockSpec((1, 192), lambda i: (0, 0)),
            pl.BlockSpec((384, 768), lambda i: (0, 0)),
            pl.BlockSpec((1, 768), lambda i: (0, 0)),
        ],
        out_specs=pl.BlockSpec((_GT, 768), lambda i: (i, 0)),
        out_shape=jax.ShapeDtypeStruct((_B * _G, 768), jnp.float32),
    )(npos8, c8,
      jnp.pad(W0, ((0, 5), (0, 0))), b0[None, :],
      W1a, W1b, b1[None, :], Wp, bp[None, :])

    return (out.reshape(_B, _G, 768), center)

# --- scband reference (transcript-rebuilt; emitter-appended) ---
"""Pipeline reference for scband-point-vi-t-18021682774154 (READ-ONLY COPY).

The authoritative reference and input builder live on the scoring server;
editing this copy changes nothing except your own understanding.
"""

import jax, jax.numpy as jnp
import numpy as np

B, N, G, K = 8, 16384, 256, 32


def setup_inputs(seed: int = 0) -> dict:
    key = jax.random.key(seed)
    ks = jax.random.split(key, 8)
    p = jax.random.uniform(ks[0], (B, N, 3), dtype=jnp.float32)
    W0 = jax.random.normal(ks[1], (3, 96), jnp.float32) * 0.1
    b0 = jnp.zeros((96,), jnp.float32)
    W1 = jax.random.normal(ks[2], (99, 192), jnp.float32) * 0.05
    b1 = jnp.zeros((192,), jnp.float32)
    Wp = jax.random.normal(ks[3], (384, 768), jnp.float32) * 0.05
    bp = jnp.zeros((768,), jnp.float32)
    return {"p": p, "W0": W0, "b0": b0, "W1": W1, "b1": b1, "Wp": Wp, "bp": bp}


def _fps(p, g):
    # farthest point sampling: returns [B, g] int32 indices of centers
    b, n, _ = p.shape
    dists0 = jnp.full((b, n), 1e10, dtype=p.dtype)
    far0 = jnp.zeros((b,), dtype=jnp.int32)

    def step(carry, _):
        dists, far = carry
        centroid = jnp.take_along_axis(p, far[:, None, None], axis=1)  # [B,1,3]
        d = jnp.sum((p - centroid) ** 2, axis=-1)  # [B,N]
        dists = jnp.minimum(dists, d)
        nxt = jnp.argmax(dists, axis=-1).astype(jnp.int32)
        return (dists, nxt), far

    (_, _), idxs = jax.lax.scan(step, (dists0, far0), None, length=g)
    return jnp.transpose(idxs)  # [B, g]


def _patch_embed(p, W0, b0, W1, b1):
    # Point_PN_scan-style non-parametric patch embedding:
    # per-point lift -> FPS centers -> kNN grouping -> local MLP -> max/mean pool
    feat = jax.nn.relu(p @ W0 + b0)  # [B,N,96]
    center_idx = _fps(jax.lax.stop_gradient(p), G)  # [B,G]
    center = jnp.take_along_axis(p, center_idx[:, :, None], axis=1)  # [B,G,3]
    d2 = (jnp.sum(center ** 2, -1)[:, :, None]
          + jnp.sum(p ** 2, -1)[:, None, :]
          - 2.0 * jnp.einsum('bgc,bnc->bgn', center, p))  # [B,G,N]
    neighbor_idx = jax.lax.top_k(-d2, K)[1]  # [B,G,K]
    nf = jax.vmap(lambda f, idx: f[idx])(feat, neighbor_idx)  # [B,G,K,96]
    npos = jax.vmap(lambda pts, idx: pts[idx])(p, neighbor_idx)  # [B,G,K,3]
    rel = npos - center[:, :, None, :]  # [B,G,K,3]
    h = jax.nn.relu(jnp.concatenate([nf, rel], axis=-1) @ W1 + b1)  # [B,G,K,192]
    group_tokens = jnp.concatenate([jnp.max(h, axis=2), jnp.mean(h, axis=2)], axis=-1)  # [B,G,384]
    return center, group_tokens, center_idx, neighbor_idx


def reference(p, W0, b0, W1, b1, Wp, bp):
    center, group_tokens, center_idx, neighbor_idx = _patch_embed(p, W0, b0, W1, b1)
    patch_tokens = group_tokens @ Wp + bp  # proj: Linear(384, 768) -> [B,G,768]
    return (patch_tokens, center)

if __name__ == "__main__":
    import jax
    _d = setup_inputs()
    print(jax.jit(kernel)(*tuple(_d.values())))

</pallas_src>

<mosaic_0001>
module attributes {stable_mosaic.version = 14 : i64} {
  func.func @_fps_kernel(%arg0: memref<8x128x128xf32, #tpu.memory_space<vmem>>, %arg1: memref<8x128x128xf32, #tpu.memory_space<vmem>>, %arg2: memref<8x128x128xf32, #tpu.memory_space<vmem>>, %arg3: memref<8x256xf32, #tpu.memory_space<vmem>>, %arg4: memref<8x256xf32, #tpu.memory_space<vmem>>, %arg5: memref<8x256xf32, #tpu.memory_space<vmem>>, %arg6: memref<8x128x128xf32, #tpu.memory_space<vmem>>) attributes {dimension_semantics = [], scalar_prefetch = 0 : i64, scratch_operands = 1 : i64, tpu.core_type = #tpu.core_type<tc>} {
    %iota3A = tpu.iota {dimensions = array<i32: 1>} : vector<1x128x128xi32>
    %mul3A = arith.constant 128 : i32
    %mul3A_0 = vector.broadcast %mul3A : i32 to vector<1x128x128xi32>
    %mul3A_1 = arith.muli %iota3A, %mul3A_0 : vector<1x128x128xi32>
    %iota3A_2 = tpu.iota {dimensions = array<i32: 2>} : vector<1x128x128xi32>
    %add3A = arith.addi %mul3A_1, %iota3A_2 : vector<1x128x128xi32>
    %convert_element_type3A = arith.sitofp %add3A : vector<1x128x128xi32> to vector<1x128x128xf32>
    %get3A = arith.constant 0 : index
    %get3A_3 = arith.constant 0 : index
    %get3A_4 = arith.constant 0 : index
    %get3A_5 = vector.load %arg0[%get3A, %get3A_3, %get3A_4] : memref<8x128x128xf32, #tpu.memory_space<vmem>>, vector<8x128x128xf32>
    %get3A_6 = arith.constant 0 : index
    %get3A_7 = arith.constant 0 : index
    %get3A_8 = arith.constant 0 : index
    %get3A_9 = vector.load %arg1[%get3A_6, %get3A_7, %get3A_8] : memref<8x128x128xf32, #tpu.memory_space<vmem>>, vector<8x128x128xf32>
    %get3A_10 = arith.constant 0 : index
    %get3A_11 = arith.constant 0 : index
    %get3A_12 = arith.constant 0 : index
    %get3A_13 = vector.load %arg2[%get3A_10, %get3A_11, %get3A_12] : memref<8x128x128xf32, #tpu.memory_space<vmem>>, vector<8x128x128xf32>
    %broadcast_in_dim3A = arith.constant 1.000000e+10 : f32
    %broadcast_in_dim3A_14 = vector.broadcast %broadcast_in_dim3A : f32 to vector<8x128x128xf32>
    %swap3A = arith.constant 0 : index
    %swap3A_15 = arith.constant 0 : index
    %swap3A_16 = arith.constant 0 : index
    %swap3A_17 = vector.load %arg6[%swap3A, %swap3A_15, %swap3A_16] : memref<8x128x128xf32, #tpu.memory_space<vmem>>, vector<8x128x128xf32>
    tpu.vector_store %arg6[%swap3A, %swap3A_15, %swap3A_16], %broadcast_in_dim3A_14 {strides = array<i32>} : memref<8x128x128xf32, #tpu.memory_space<vmem>>, vector<8x128x128xf32>,
    %iota3A_18 = tpu.iota {dimensions = array<i32: 1>} : vector<8x256xi32>
    %get3A_19 = arith.constant 0 : index
    %get3A_20 = arith.constant 0 : index
    %get3A_21 = arith.constant 0 : index
    %get3A_22 = vector.load %arg0[%get3A_19, %get3A_20, %get3A_21] : memref<8x128x128xf32, #tpu.memory_space<vmem>>, vector<8x1x1xf32>
    %get3A_23 = arith.constant 0 : index
    %get3A_24 = arith.constant 0 : index
    %get3A_25 = arith.constant 0 : index
    %get3A_26 = vector.load %arg1[%get3A_23, %get3A_24, %get3A_25] : memref<8x128x128xf32, #tpu.memory_space<vmem>>, vector<8x1x1xf32>
    %get3A_27 = arith.constant 0 : index
    %get3A_28 = arith.constant 0 : index
    %get3A_29 = arith.constant 0 : index
    %get3A_30 = vector.load %arg2[%get3A_27, %get3A_28, %get3A_29] : memref<8x128x128xf32, #tpu.memory_space<vmem>>, vector<8x1x1xf32>
    %broadcast_in_dim3A_31 = arith.constant 0.000000e+00 : f32
    %broadcast_in_dim3A_32 = vector.broadcast %broadcast_in_dim3A_31 : f32 to vector<8x256xf32>
    %scan3A = arith.constant 0 : i32
    %scan3A_33 = arith.constant 256 : i32
    %scan3A_34 = arith.addi %scan3A, %scan3A_33 : i32
    %scan3A_35 = arith.constant 1 : i32
    %scan3A_36:6 = scf.for %scan3A_47 = %scan3A to %scan3A_34 step %scan3A_35 iter_args(%scan3A_48 = %get3A_22, %scan3A_49 = %get3A_26, %scan3A_50 = %get3A_30, %scan3A_51 = %broadcast_in_dim3A_32, %scan3A_52 = %broadcast_in_dim3A_32, %scan3A_53 = %broadcast_in_dim3A_32) -> (vector<8x1x1xf32>, vector<8x1x1xf32>, vector<8x1x1xf32>, vector<8x256xf32>, vector<8x256xf32>, vector<8x256xf32>)  : i32 {
      %eq3A = vector.broadcast %scan3A_47 : i32 to vector<8x256xi32>
      %eq3A_54 = arith.cmpi eq, %iota3A_18, %eq3A : vector<8x256xi32>
      %reshape3A = vector.shape_cast %scan3A_48 : vector<8x1x1xf32> to vector<8x1xf32>
      %broadcast_in_dim3A_55 = vector.shape_cast %reshape3A : vector<8x1xf32> to vector<8x1xf32>
      %broadcast_in_dim3A_56 = vector.broadcast %broadcast_in_dim3A_55 : vector<8x1xf32> to vector<8x256xf32>
      %select_n3A = arith.select %eq3A_54, %broadcast_in_dim3A_56, %scan3A_51 : vector<8x256xi1>, vector<8x256xf32>
      %reshape3A_57 = vector.shape_cast %scan3A_49 : vector<8x1x1xf32> to vector<8x1xf32>
      %broadcast_in_dim3A_58 = vector.shape_cast %reshape3A_57 : vector<8x1xf32> to vector<8x1xf32>
      %broadcast_in_dim3A_59 = vector.broadcast %broadcast_in_dim3A_58 : vector<8x1xf32> to vector<8x256xf32>
      %select_n3A_60 = arith.select %eq3A_54, %broadcast_in_dim3A_59, %scan3A_52 : vector<8x256xi1>, vector<8x256xf32>
      %reshape3A_61 = vector.shape_cast %scan3A_50 : vector<8x1x1xf32> to vector<8x1xf32>
      %broadcast_in_dim3A_62 = vector.shape_cast %reshape3A_61 : vector<8x1xf32> to vector<8x1xf32>
      %broadcast_in_dim3A_63 = vector.broadcast %broadcast_in_dim3A_62 : vector<8x1xf32> to vector<8x256xf32>
      %select_n3A_64 = arith.select %eq3A_54, %broadcast_in_dim3A_63, %scan3A_53 : vector<8x256xi1>, vector<8x256xf32>
      %sub3A = vector.broadcast %scan3A_48 : vector<8x1x1xf32> to vector<8x128x128xf32>
      %sub3A_65 = arith.subf %get3A_5, %sub3A : vector<8x128x128xf32>
      %sub3A_66 = vector.broadcast %scan3A_49 : vector<8x1x1xf32> to vector<8x128x128xf32>
      %sub3A_67 = arith.subf %get3A_9, %sub3A_66 : vector<8x128x128xf32>
      %sub3A_68 = vector.broadcast %scan3A_50 : vector<8x1x1xf32> to vector<8x128x128xf32>
      %sub3A_69 = arith.subf %get3A_13, %sub3A_68 : vector<8x128x128xf32>
      %mul3A_70 = arith.mulf %sub3A_65, %sub3A_65 : vector<8x128x128xf32>
      %mul3A_71 = arith.mulf %sub3A_67, %sub3A_67 : vector<8x128x128xf32>
      %add3A_72 = arith.addf %mul3A_70, %mul3A_71 : vector<8x128x128xf32>
      %mul3A_73 = arith.mulf %sub3A_69, %sub3A_69 : vector<8x128x128xf32>
      %add3A_74 = arith.addf %add3A_72, %mul3A_73 : vector<8x128x128xf32>
      %get3A_75 = arith.constant 0 : index
      %get3A_76 = arith.constant 0 : index
      %get3A_77 = arith.constant 0 : index
      %get3A_78 = vector.load %arg6[%get3A_75, %get3A_76, %get3A_77] : memref<8x128x128xf32, #tpu.memory_space<vmem>>, vector<8x128x128xf32>
      %min3A = arith.minimumf %get3A_78, %add3A_74 : vector<8x128x128xf32>
      %swap3A_79 = arith.constant 0 : index
      %swap3A_80 = arith.constant 0 : index
      %swap3A_81 = arith.constant 0 : index
      %swap3A_82 = vector.load %arg6[%swap3A_79, %swap3A_80, %swap3A_81] : memref<8x128x128xf32, #tpu.memory_space<vmem>>, vector<8x128x128xf32>
      tpu.vector_store %arg6[%swap3A_79, %swap3A_80, %swap3A_81], %min3A {strides = array<i32>} : memref<8x128x128xf32, #tpu.memory_space<vmem>>, vector<8x128x128xf32>,
      %reduce_max3A = arith.constant dense<0xFF800000> : vector<8x128xf32>
      %reduce_max3A_83 = vector.multi_reduction <maximumf>, %min3A, %reduce_max3A [2] : vector<8x128x128xf32> to vector<8x128xf32>
      %broadcast_in_dim3A_84 = vector.shape_cast %reduce_max3A_83 : vector<8x128xf32> to vector<8x128x1xf32>
      %reduce_max3A_85 = arith.constant dense<0xFF800000> : vector<8x1xf32>
      %reduce_max3A_86 = vector.multi_reduction <maximumf>, %broadcast_in_dim3A_84, %reduce_max3A_85 [1] : vector<8x128x1xf32> to vector<8x1xf32>
      %broadcast_in_dim3A_87 = vector.shape_cast %reduce_max3A_86 : vector<8x1xf32> to vector<8x1x1xf32>
      %eq3A_88 = vector.broadcast %broadcast_in_dim3A_87 : vector<8x1x1xf32> to vector<8x128x128xf32>
      %eq3A_89 = arith.cmpf oeq, %min3A, %eq3A_88 : vector<8x128x128xf32>
      %jit3A = arith.constant 3.000000e+07 : f32
      %broadcast_in_dim3A_90 = vector.shape_cast %convert_element_type3A : vector<1x128x128xf32> to vector<1x128x128xf32>
      %broadcast_in_dim3A_91 = vector.broadcast %broadcast_in_dim3A_90 : vector<1x128x128xf32> to vector<8x128x128xf32>
      %broadcast_in_dim3A_92 = vector.broadcast %jit3A : f32 to vector<8x128x128xf32>
      %select_n3A_93 = arith.select %eq3A_89, %broadcast_in_dim3A_91, %broadcast_in_dim3A_92 : vector<8x128x128xi1>, vector<8x128x128xf32>
      %reduce_min3A = arith.constant dense<0x7F800000> : vector<8x128xf32>
      %reduce_min3A_94 = vector.multi_reduction <minimumf>, %select_n3A_93, %reduce_min3A [2] : vector<8x128x128xf32> to vector<8x128xf32>
      %broadcast_in_dim3A_95 = vector.shape_cast %reduce_min3A_94 : vector<8x128xf32> to vector<8x128x1xf32>
      %reduce_min3A_96 = arith.constant dense<0x7F800000> : vector<8x1xf32>
      %reduce_min3A_97 = vector.multi_reduction <minimumf>, %broadcast_in_dim3A_95, %reduce_min3A_96 [1] : vector<8x128x1xf32> to vector<8x1xf32>
      %broadcast_in_dim3A_98 = vector.shape_cast %reduce_min3A_97 : vector<8x1xf32> to vector<8x1x1xf32>
      %eq3A_99 = vector.broadcast %convert_element_type3A : vector<1x128x128xf32> to vector<8x128x128xf32>
      %eq3A_100 = vector.broadcast %broadcast_in_dim3A_98 : vector<8x1x1xf32> to vector<8x128x128xf32>
      %eq3A_101 = arith.cmpf oeq, %eq3A_99, %eq3A_100 : vector<8x128x128xf32>
      %jit3A_102 = arith.constant 0.000000e+00 : f32
      %broadcast_in_dim3A_103 = vector.broadcast %jit3A_102 : f32 to vector<8x128x128xf32>
      %select_n3A_104 = arith.select %eq3A_101, %get3A_5, %broadcast_in_dim3A_103 : vector<8x128x128xi1>, vector<8x128x128xf32>
      %reduce_sum3A = arith.constant dense<0.000000e+00> : vector<8x128xf32>
      %reduce_sum3A_105 = vector.multi_reduction <add>, %select_n3A_104, %reduce_sum3A [2] : vector<8x128x128xf32> to vector<8x128xf32>
      %broadcast_in_dim3A_106 = vector.shape_cast %reduce_sum3A_105 : vector<8x128xf32> to vector<8x128x1xf32>
      %reduce_sum3A_107 = arith.constant dense<0.000000e+00> : vector<8x1xf32>
      %reduce_sum3A_108 = vector.multi_reduction <add>, %broadcast_in_dim3A_106, %reduce_sum3A_107 [1] : vector<8x128x1xf32> to vector<8x1xf32>
      %broadcast_in_dim3A_109 = vector.shape_cast %reduce_sum3A_108 : vector<8x1xf32> to vector<8x1x1xf32>
      %jit3A_110 = arith.constant 0.000000e+00 : f32
      %broadcast_in_dim3A_111 = vector.broadcast %jit3A_110 : f32 to vector<8x128x128xf32>
      %select_n3A_112 = arith.select %eq3A_101, %get3A_9, %broadcast_in_dim3A_111 : vector<8x128x128xi1>, vector<8x128x128xf32>
      %reduce_sum3A_113 = arith.constant dense<0.000000e+00> : vector<8x128xf32>
      %reduce_sum3A_114 = vector.multi_reduction <add>, %select_n3A_112, %reduce_sum3A_113 [2] : vector<8x128x128xf32> to vector<8x128xf32>
      %broadcast_in_dim3A_115 = vector.shape_cast %reduce_sum3A_114 : vector<8x128xf32> to vector<8x128x1xf32>
      %reduce_sum3A_116 = arith.constant dense<0.000000e+00> : vector<8x1xf32>
      %reduce_sum3A_117 = vector.multi_reduction <add>, %broadcast_in_dim3A_115, %reduce_sum3A_116 [1] : vector<8x128x1xf32> to vector<8x1xf32>
      %broadcast_in_dim3A_118 = vector.shape_cast %reduce_sum3A_117 : vector<8x1xf32> to vector<8x1x1xf32>
      %jit3A_119 = arith.constant 0.000000e+00 : f32
      %broadcast_in_dim3A_120 = vector.broadcast %jit3A_119 : f32 to vector<8x128x128xf32>
      %select_n3A_121 = arith.select %eq3A_101, %get3A_13, %broadcast_in_dim3A_120 : vector<8x128x128xi1>, vector<8x128x128xf32>
      %reduce_sum3A_122 = arith.constant dense<0.000000e+00> : vector<8x128xf32>
      %reduce_sum3A_123 = vector.multi_reduction <add>, %select_n3A_121, %reduce_sum3A_122 [2] : vector<8x128x128xf32> to vector<8x128xf32>
      %broadcast_in_dim3A_124 = vector.shape_cast %reduce_sum3A_123 : vector<8x128xf32> to vector<8x128x1xf32>
      %reduce_sum3A_125 = arith.constant dense<0.000000e+00> : vector<8x1xf32>
      %reduce_sum3A_126 = vector.multi_reduction <add>, %broadcast_in_dim3A_124, %reduce_sum3A_125 [1] : vector<8x128x1xf32> to vector<8x1xf32>
      %broadcast_in_dim3A_127 = vector.shape_cast %reduce_sum3A_126 : vector<8x1xf32> to vector<8x1x1xf32>
      scf.yield %broadcast_in_dim3A_109, %broadcast_in_dim3A_118, %broadcast_in_dim3A_127, %select_n3A, %select_n3A_60, %select_n3A_64 : vector<8x1x1xf32>, vector<8x1x1xf32>, vector<8x1x1xf32>, vector<8x256xf32>, vector<8x256xf32>, vector<8x256xf32>
    }
    %scan3A_37 = arith.constant 256 : i32
    %swap3A_38 = arith.constant 0 : index
    %swap3A_39 = arith.constant 0 : index
    %swap3A_40 = vector.load %arg3[%swap3A_38, %swap3A_39] : memref<8x256xf32, #tpu.memory_space<vmem>>, vector<8x256xf32>
    tpu.vector_store %arg3[%swap3A_38, %swap3A_39], %scan3A_36#3 {strides = array<i32>} : memref<8x256xf32, #tpu.memory_space<vmem>>, vector<8x256xf32>,
    %swap3A_41 = arith.constant 0 : index
    %swap3A_42 = arith.constant 0 : index
    %swap3A_43 = vector.load %arg4[%swap3A_41, %swap3A_42] : memref<8x256xf32, #tpu.memory_space<vmem>>, vector<8x256xf32>
    tpu.vector_store %arg4[%swap3A_41, %swap3A_42], %scan3A_36#4 {strides = array<i32>} : memref<8x256xf32, #tpu.memory_space<vmem>>, vector<8x256xf32>,
    %swap3A_44 = arith.constant 0 : index
    %swap3A_45 = arith.constant 0 : index
    %swap3A_46 = vector.load %arg5[%swap3A_44, %swap3A_45] : memref<8x256xf32, #tpu.memory_space<vmem>>, vector<8x256xf32>
    tpu.vector_store %arg5[%swap3A_44, %swap3A_45], %scan3A_36#5 {strides = array<i32>} : memref<8x256xf32, #tpu.memory_space<vmem>>, vector<8x256xf32>,
    return
  }
}

module attributes {stable_mosaic.version = 14 : i64} {
  func.func @_mlp_block(%arg0: i32, %arg1: memref<1024x8xf32, #tpu.memory_space<vmem>>, %arg2: memref<32x8xf32, #tpu.memory_space<vmem>>, %arg3: memref<8x96xf32, #tpu.memory_space<vmem>>, %arg4: memref<1x96xf32, #tpu.memory_space<vmem>>, %arg5: memref<96x192xf32, #tpu.memory_space<vmem>>, %arg6: memref<8x192xf32, #tpu.memory_space<vmem>>, %arg7: memref<1x192xf32, #tpu.memory_space<vmem>>, %arg8: memref<384x768xf32, #tpu.memory_space<vmem>>, %arg9: memref<1x768xf32, #tpu.memory_space<vmem>>, %arg10: memref<32x768xf32, #tpu.memory_space<vmem>>) attributes {dimension_semantics = [#tpu.dimension_semantics<arbitrary>], iteration_bounds = array<i64: 64>, scalar_prefetch = 0 : i64, scratch_operands = 0 : i64, tpu.core_type = #tpu.core_type<tc>, window_params = [{transform_indices = @transform_0, window_bounds = array<i64: 1024, 8>}, {transform_indices = @transform_1, window_bounds = array<i64: 32, 8>}, {pipeline_mode = #tpu.pipeline_mode<synchronous>, transform_indices = @transform_2, window_bounds = array<i64: 8, 96>}, {pipeline_mode = #tpu.pipeline_mode<synchronous>, transform_indices = @transform_3, window_bounds = array<i64: 1, 96>}, {pipeline_mode = #tpu.pipeline_mode<synchronous>, transform_indices = @transform_4, window_bounds = array<i64: 96, 192>}, {pipeline_mode = #tpu.pipeline_mode<synchronous>, transform_indices = @transform_5, window_bounds = array<i64: 8, 192>}, {pipeline_mode = #tpu.pipeline_mode<synchronous>, transform_indices = @transform_6, window_bounds = array<i64: 1, 192>}, {pipeline_mode = #tpu.pipeline_mode<synchronous>, transform_indices = @transform_7, window_bounds = array<i64: 384, 768>}, {pipeline_mode = #tpu.pipeline_mode<synchronous>, transform_indices = @transform_8, window_bounds = array<i64: 1, 768>}, {transform_indices = @transform_9, window_bounds = array<i64: 32, 768>}]} {
    %get3A = arith.constant 0 : index
    %get3A_0 = arith.constant 0 : index
    %get3A_1 = vector.load %arg1[%get3A, %get3A_0] : memref<1024x8xf32, #tpu.memory_space<vmem>>, vector<1024x8xf32>
    %get3A_2 = arith.constant 0 : index
    %get3A_3 = arith.constant 0 : index
    %get3A_4 = vector.load %arg2[%get3A_2, %get3A_3] : memref<32x8xf32, #tpu.memory_space<vmem>>, vector<32x8xf32>
    %reshape3A = vector.shape_cast %get3A_1 : vector<1024x8xf32> to vector<32x32x8xf32>
    %broadcast_in_dim3A = vector.shape_cast %get3A_4 : vector<32x8xf32> to vector<32x1x8xf32>
    %sub3A = vector.broadcast %broadcast_in_dim3A : vector<32x1x8xf32> to vector<32x32x8xf32>
    %sub3A_5 = arith.subf %reshape3A, %sub3A : vector<32x32x8xf32>
    %reshape3A_6 = vector.shape_cast %sub3A_5 : vector<32x32x8xf32> to vector<1024x8xf32>
    %get3A_7 = arith.constant 0 : index
    %get3A_8 = arith.constant 0 : index
    %get3A_9 = vector.load %arg3[%get3A_7, %get3A_8] : memref<8x96xf32, #tpu.memory_space<vmem>>, vector<8x96xf32>
    %dot_general3A = arith.constant dense<0.000000e+00> : vector<1024x96xf32>
    %dot_general3A_10 = tpu.matmul %get3A_1, %get3A_9, %dot_general3A {dimension_numbers = #tpu.dot_dimension_numbers<[1], [0], [0], [1], [0, 0, 1, 1], [], []>, transpose_lhs_hint = false} : vector<1024x8xf32>, vector<8x96xf32>, vector<1024x96xf32> -> vector<1024x96xf32>
    %get3A_11 = arith.constant 0 : index
    %get3A_12 = arith.constant 0 : index
    %get3A_13 = vector.load %arg4[%get3A_11, %get3A_12] : memref<1x96xf32, #tpu.memory_space<vmem>>, vector<1x96xf32>
    %add3A = vector.broadcast %get3A_13 : vector<1x96xf32> to vector<1024x96xf32>
    %add3A_14 = arith.addf %dot_general3A_10, %add3A : vector<1024x96xf32>
    %max3A = arith.constant 0.000000e+00 : f32
    %max3A_15 = vector.broadcast %max3A : f32 to vector<1024x96xf32>
    %max3A_16 = arith.maximumf %add3A_14, %max3A_15 : vector<1024x96xf32>
    %get3A_17 = arith.constant 0 : index
    %get3A_18 = arith.constant 0 : index
    %get3A_19 = vector.load %arg5[%get3A_17, %get3A_18] : memref<96x192xf32, #tpu.memory_space<vmem>>, vector<96x192xf32>
    %dot_general3A_20 = arith.constant dense<0.000000e+00> : vector<1024x192xf32>
    %dot_general3A_21 = tpu.matmul %max3A_16, %get3A_19, %dot_general3A_20 {dimension_numbers = #tpu.dot_dimension_numbers<[1], [0], [0], [1], [0, 0, 1, 1], [], []>, transpose_lhs_hint = false} : vector<1024x96xf32>, vector<96x192xf32>, vector<1024x192xf32> -> vector<1024x192xf32>
    %get3A_22 = arith.constant 0 : index
    %get3A_23 = arith.constant 0 : index
    %get3A_24 = vector.load %arg6[%get3A_22, %get3A_23] : memref<8x192xf32, #tpu.memory_space<vmem>>, vector<8x192xf32>
    %dot_general3A_25 = arith.constant dense<0.000000e+00> : vector<1024x192xf32>
    %dot_general3A_26 = tpu.matmul %reshape3A_6, %get3A_24, %dot_general3A_25 {dimension_numbers = #tpu.dot_dimension_numbers<[1], [0], [0], [1], [0, 0, 1, 1], [], []>, transpose_lhs_hint = false} : vector<1024x8xf32>, vector<8x192xf32>, vector<1024x192xf32> -> vector<1024x192xf32>
    %add3A_27 = arith.addf %dot_general3A_21, %dot_general3A_26 : vector<1024x192xf32>
    %get3A_28 = arith.constant 0 : index
    %get3A_29 = arith.constant 0 : index
    %get3A_30 = vector.load %arg7[%get3A_28, %get3A_29] : memref<1x192xf32, #tpu.memory_space<vmem>>, vector<1x192xf32>
    %add3A_31 = vector.broadcast %get3A_30 : vector<1x192xf32> to vector<1024x192xf32>
    %add3A_32 = arith.addf %add3A_27, %add3A_31 : vector<1024x192xf32>
    %max3A_33 = arith.constant 0.000000e+00 : f32
    %max3A_34 = vector.broadcast %max3A_33 : f32 to vector<1024x192xf32>
    %max3A_35 = arith.maximumf %add3A_32, %max3A_34 : vector<1024x192xf32>
    %reshape3A_36 = vector.shape_cast %max3A_35 : vector<1024x192xf32> to vector<32x32x192xf32>
    %reduce_max3A = arith.constant dense<0xFF800000> : vector<32x192xf32>
    %reduce_max3A_37 = vector.multi_reduction <maximumf>, %reshape3A_36, %reduce_max3A [1] : vector<32x32x192xf32> to vector<32x192xf32>
    %reduce_sum3A = arith.constant dense<0.000000e+00> : vector<32x192xf32>
    %reduce_sum3A_38 = vector.multi_reduction <add>, %reshape3A_36, %reduce_sum3A [1] : vector<32x32x192xf32> to vector<32x192xf32>
    %div3A = arith.constant 3.200000e+01 : f32
    %div3A_39 = vector.broadcast %div3A : f32 to vector<32x192xf32>
    %div3A_40 = arith.divf %reduce_sum3A_38, %div3A_39 : vector<32x192xf32>
    %concatenate3A = tpu.concatenate %reduce_max3A_37, %div3A_40 in 1 : vector<32x192xf32>, vector<32x192xf32> -> vector<32x384xf32>
    %get3A_41 = arith.constant 0 : index
    %get3A_42 = arith.constant 0 : index
    %get3A_43 = vector.load %arg8[%get3A_41, %get3A_42] : memref<384x768xf32, #tpu.memory_space<vmem>>, vector<384x768xf32>
    %dot_general3A_44 = arith.constant dense<0.000000e+00> : vector<32x768xf32>
    %dot_general3A_45 = tpu.matmul %concatenate3A, %get3A_43, %dot_general3A_44 {dimension_numbers = #tpu.dot_dimension_numbers<[1], [0], [0], [1], [0, 0, 1, 1], [], []>, transpose_lhs_hint = false} : vector<32x384xf32>, vector<384x768xf32>, vector<32x768xf32> -> vector<32x768xf32>
    %get3A_46 = arith.constant 0 : index
    %get3A_47 = arith.constant 0 : index
    %get3A_48 = vector.load %arg9[%get3A_46, %get3A_47] : memref<1x768xf32, #tpu.memory_space<vmem>>, vector<1x768xf32>
    %add3A_49 = vector.broadcast %get3A_48 : vector<1x768xf32> to vector<32x768xf32>
    %add3A_50 = arith.addf %dot_general3A_45, %add3A_49 : vector<32x768xf32>
    %swap3A = arith.constant 0 : index
    %swap3A_51 = arith.constant 0 : index
    %swap3A_52 = vector.load %arg10[%swap3A, %swap3A_51] : memref<32x768xf32, #tpu.memory_space<vmem>>, vector<32x768xf32>
    tpu.vector_store %arg10[%swap3A, %swap3A_51], %add3A_50 {strides = array<i32>} : memref<32x768xf32, #tpu.memory_space<vmem>>, vector<32x768xf32>,
    return
  }
  func.func @transform_0(%arg0: i32) -> (i32, i32) {
    %c0_i32 = arith.constant 0 : i32
    %c0_i32_0 = arith.constant 0 : i32
    return %arg0, %c0_i32 : i32, i32
  }
  func.func @transform_1(%arg0: i32) -> (i32, i32) {
    %c0_i32 = arith.constant 0 : i32
    %c0_i32_0 = arith.constant 0 : i32
    return %arg0, %c0_i32 : i32, i32
  }
  func.func @transform_2(%arg0: i32) -> (i32, i32) {
    %c0_i32 = arith.constant 0 : i32
    %c0_i32_0 = arith.constant 0 : i32
    %c0_i32_1 = arith.constant 0 : i32
    return %c0_i32, %c0_i32_0 : i32, i32
  }
  func.func @transform_3(%arg0: i32) -> (i32, i32) {
    %c0_i32 = arith.constant 0 : i32
    %c0_i32_0 = arith.constant 0 : i32
    %c0_i32_1 = arith.constant 0 : i32
    return %c0_i32, %c0_i32_0 : i32, i32
  }
  func.func @transform_4(%arg0: i32) -> (i32, i32) {
    %c0_i32 = arith.constant 0 : i32
    %c0_i32_0 = arith.constant 0 : i32
    %c0_i32_1 = arith.constant 0 : i32
    return %c0_i32, %c0_i32_0 : i32, i32
  }
  func.func @transform_5(%arg0: i32) -> (i32, i32) {
    %c0_i32 = arith.constant 0 : i32
    %c0_i32_0 = arith.constant 0 : i32
    %c0_i32_1 = arith.constant 0 : i32
    return %c0_i32, %c0_i32_0 : i32, i32
  }
  func.func @transform_6(%arg0: i32) -> (i32, i32) {
    %c0_i32 = arith.constant 0 : i32
    %c0_i32_0 = arith.constant 0 : i32
    %c0_i32_1 = arith.constant 0 : i32
    return %c0_i32, %c0_i32_0 : i32, i32
  }
  func.func @transform_7(%arg0: i32) -> (i32, i32) {
    %c0_i32 = arith.constant 0 : i32
    %c0_i32_0 = arith.constant 0 : i32
    %c0_i32_1 = arith.constant 0 : i32
    return %c0_i32, %c0_i32_0 : i32, i32
  }
  func.func @transform_8(%arg0: i32) -> (i32, i32) {
    %c0_i32 = arith.constant 0 : i32
    %c0_i32_0 = arith.constant 0 : i32
    %c0_i32_1 = arith.constant 0 : i32
    return %c0_i32, %c0_i32_0 : i32, i32
  }
  func.func @transform_9(%arg0: i32) -> (i32, i32) {
    %c0_i32 = arith.constant 0 : i32
    %c0_i32_0 = arith.constant 0 : i32
    return %arg0, %c0_i32 : i32, i32
  }
}

</mosaic_0001>

<sc_bundles>
// kernel: gather_offload_async_start
scs
__scs_entry_jumppad:
0x0: {  	(pc) =	sbr.rel $0x88, $3  }
0x1: {  	(tag) =	ssettag $0x0;
	lr =	simm.s32 $0x1  }
0x2: {  	[smem:$0x3F9A] =	sst lr;
	_ =	strace $0xD0000000  }
0x3: {  	_ = 	snop  }
0x4: {  	_ = 	snop  }
0x5: {  	_ = 	snop  }
0x6: {  	_ = 	snop  }
0x7: {  	_ = 	snop  }
__scs_overlays_trampoline_lowered:
0x8: {  	[smem:$0x3FA9] =	sst s0  }
0x9: {  	[smem:$0x3FAA] =	sst s1  }
0xa: {  	[smem:$0x3FAB] =	sst s2  }
0xb: {  	[smem:$0x3FAC] =	sst s3  }
0xc: {  	[smem:$0x3FAD] =	sst s4  }
0xd: {  	[smem:$0x3FAE] =	sst s5  }
0xe: {  	[smem:$0x3FAF] =	sst s6  }
0xf: {  	[smem:$0x3FB0] =	sst s7  }
0x10: {  	[smem:$0x3FB1] =	sst s8  }
0x11: {  	[smem:$0x3FB2] =	sst s9;
	s0 =	simm.s32 @!p0 $0x0  }
0x12: {  	s1 =	sld [smem:$0x3F98];
	s0 =	simm.s32 @p0 $0x1  }
0x13: {  	[smem:$0x3FB3] =	sst s0;
	s0 =	simm.s32 @!p1 $0x0  }
0x14: {  	s2 =	sld [smem:$0x3F97];
	s0 =	simm.s32 @p1 $0x1  }
0x15: {  	[smem:$0x3FB4] =	sst s0;
	s0 =	simm.s32 @!p2 $0x0  }
0x16: {  	s3 =	sld [smem:$0x3FDB];
	s0 =	simm.s32 @p2 $0x1  }
0x17: {  	s4 =	simm.s32 $0x1BF5;
	[smem:$0x3FB6] =	sst s0  }
0x18: {  	s0 =	sld [smem:$0x3F99];
	_ =	swait.ge [sflag:s4], $0x0  }
0x19: {  	s7 =	sld [smem:$0x3F9A]  }
0x1a: {  	s8 =	sadd.s32 $0xFFFFE003, lr  }
0x1b: {  	s9 =	sadd.s32 $0xFFFFFEF7, lr;
	s5 =	simm.s32 $0xFFFFFFFF;
	p2 =	slt.u32 s8, $0xFFFFF086  }
0x1c: {  	p1 =	slt.u32 s9, $0xF7A;
	s5 =	simm.s32 @!p2 $0x0  }
0x1d: {  	s5 =	simm.s32 @p1 $0x1;
	p0 =	seq.s32 s7, s2  }
0x1e: {  	s7 =	smul.u32 @!p0 $0xF7A, s2;
	p2 =	seq.s32 @!p0 s5, $0x0  }
0x1f: {  	s9 =	smul.u32 $0xF7A, s1;
	s8 =	simm.s32 @!p0 $0x1BF5;
	p2 =	por !p2, p0  }
0x20: {  	[sflag:s8] =	ssyncset.s32 @!p0 $0xFFFFF086;
	s6 =	sadd.s32 @!p0 s3, s7;
	s7 =	simm.s32 @!p0 $0x108  }
0x21: {  	s3 =	sadd.s32 s3, s9;
	s6 =	sadd.s32 @!p0 $0x88, s6;
	s7 =	simm.s32 @p2 $0x1082  }
0x22: {  	[simem:s7], [sflag:s8] =	dma.local @!p0 [hbm:s6], $0xF7A  }
0x23: {  	s9 =	sor.u32 $0xD0000000, s2;
	s6 =	simm.s32 $0x108;
	_ =	swait.ge @!p0 [sflag:s8], $0x0  }
0x24: {  	s3 =	sadd.s32 $0x88, s3;
	s6 =	simm.s32 @!p1 $0x1082;
	[sflag:s4] =	ssyncset.s32 $0xFFFFF086  }
0x25: {  	[simem:s6], [sflag:s4] =	dma.local [hbm:s3], $0xF7A  }
0x26: {  	[smem:$0x3F9A] =	sst s1;
	(tag) =	ssettag s2;
	_ =	strace s9  }
0x27: {  	s1 =	sld [smem:$0x3FAA]  }
0x28: {  	s2 =	sld [smem:$0x3FAB]  }
0x29: {  	s4 =	sld [smem:$0x3FAD]  }
0x2a: {  	p0 =	seq.s32 s5, $0x0;
	s5 =	sld [smem:$0x3FAE]  }
0x2b: {  	s6 =	sld [smem:$0x3FAF]  }
0x2c: {  	s7 =	sld [smem:$0x3FB0]  }
0x2d: {  	s3 =	simm.s32 $0x108;
	s8 =	sld [smem:$0x3FB1]  }
0x2e: {  	s3 =	simm.s32 @!p0 $0x1082;
	s9 =	sld [smem:$0x3FB2]  }
0x2f: {  	lr =	sadd.s32 s0, s3;
	s0 =	sld [smem:$0x3FA9]  }
0x30: {  	s3 =	sld [smem:$0x3FAC]  }
0x31: {  	[smem:$0x3FB5] =	sst s10  }
0x32: {  	s10 =	sld [smem:$0x3FB3];
	_ =	sdelay $0x3  }
0x33: {  	p0 =	seq.s32 s10, $0x1;
	s10 =	sld [smem:$0x3FB5];
	_ =	sdelay $0x3  }
0x34: {  	[smem:$0x3FB5] =	sst s10  }
0x35: {  	s10 =	sld [smem:$0x3FB4];
	_ =	sdelay $0x3  }
0x36: {  	p1 =	seq.s32 s10, $0x1;
	s10 =	sld [smem:$0x3FB5];
	_ =	sdelay $0x3  }
0x37: {  	[smem:$0x3FB5] =	sst s10  }
0x38: {  	s10 =	sld [smem:$0x3FB6]  }
0x39: {  	_ = 	snop;
	(pc) =	sbr.ind lr, $3  }
0x3a: {  	_ = 	snop  }
0x3b: {  	_ = 	snop  }
0x3c: {  	p2 =	seq.s32 s10, $0x1;
	s10 =	sld [smem:$0x3FB5]  }
0x3d: {  	_ =	shalt  }
0x3e: {  	_ =	shalt  }
0x3f: {  	_ =	shalt  }
0x40: {  	_ =	shalt  }
0x41: {  	_ =	shalt  }
0x42: {  	_ =	shalt  }
0x43: {  	_ =	shalt  }
0x44: {  	_ =	shalt  }
0x45: {  	_ =	shalt  }
0x46: {  	_ =	shalt  }
0x47: {  	_ =	shalt  }
0x48: {  	_ =	shalt  }
0x49: {  	_ =	shalt  }
0x4a: {  	_ =	shalt  }
0x4b: {  	_ =	shalt  }
0x4c: {  	_ =	shalt  }
0x4d: {  	_ =	shalt  }
0x4e: {  	_ =	shalt  }
0x4f: {  	_ =	shalt  }
0x50: {  	_ =	shalt  }
0x51: {  	_ =	shalt  }
0x52: {  	_ =	shalt  }
0x53: {  	_ =	shalt  }
0x54: {  	_ =	shalt  }
0x55: {  	_ =	shalt  }
0x56: {  	_ =	shalt  }
0x57: {  	_ =	shalt  }
0x58: {  	_ =	shalt  }
0x59: {  	_ =	shalt  }
0x5a: {  	_ =	shalt  }
0x5b: {  	_ =	shalt  }
0x5c: {  	_ =	shalt  }
0x5d: {  	_ =	shalt  }
0x5e: {  	_ =	shalt  }
0x5f: {  	_ =	shalt  }
0x60: {  	_ =	shalt  }
0x61: {  	_ =	shalt  }
0x62: {  	_ =	shalt  }
0x63: {  	_ =	shalt  }
0x64: {  	_ =	shalt  }
0x65: {  	_ =	shalt  }
0x66: {  	_ =	shalt  }
0x67: {  	_ =	shalt  }
0x68: {  	_ =	shalt  }
0x69: {  	_ =	shalt  }
0x6a: {  	_ =	shalt  }
0x6b: {  	_ =	shalt  }
0x6c: {  	_ =	shalt  }
0x6d: {  	_ =	shalt  }
0x6e: {  	_ =	shalt  }
0x6f: {  	_ =	shalt  }
0x70: {  	_ =	shalt  }
0x71: {  	_ =	shalt  }
0x72: {  	_ =	shalt  }
0x73: {  	_ =	shalt  }
0x74: {  	_ =	shalt  }
0x75: {  	_ =	shalt  }
0x76: {  	_ =	shalt  }
0x77: {  	_ =	shalt  }
0x78: {  	_ =	shalt  }
0x79: {  	_ =	shalt  }
0x7a: {  	_ =	shalt  }
0x7b: {  	_ =	shalt  }
0x7c: {  	_ =	shalt  }
0x7d: {  	_ =	shalt  }
0x7e: {  	_ =	shalt  }
0x7f: {  	_ =	shalt  }
0x80: {  	_ =	shalt  }
0x81: {  	_ =	shalt  }
0x82: {  	_ =	shalt  }
0x83: {  	_ =	shalt  }
0x84: {  	_ =	shalt  }
0x85: {  	_ =	shalt  }
0x86: {  	_ =	shalt  }
0x87: {  	_ =	shalt  }
.Lfunc_end0:
.L_simem_size_0:
called_computation.1_lowered:
.L_overlay_start_0:
0x88: {  	s2 =	sld [smem:$0x3FD9]  }
0x89: {  	s3 =	sld [smem:$0x3FFE];
	_ =	sdelay $0x1  }
0x8a: {  	s1 =	srdreg.scid  }
0x8b: {  	s0 =	sand.u32 $0x1, s1  }
0x8c: {  	s14 =	sshll.u32 s0, $0xA;
	s2 =	sadd.s32 s3, s2  }
0x8d: {  	s2 =	sadd.s32 s2, s14  }
0x8e: {  	[smem:$0x3FC1] =	sst s2  }
0x8f: {  	_ = 	snop  }
0x90: {  	s2 =	sld [smem:$0x3FD0];
	_ =	sdelay $0x2  }
0x91: {  	s15 =	simm.s32 $0xA;
	s4 =	simm.s32 $0x10  }
0x92: {  	[smem:s4], [sflag:s15] =	dma.local [hbm:s2], $0x1  }
0x93: {  	_ =	swait.eq [sflag:s15], $0x1  }
0x94: {  	[sflag:s15] =	ssyncset.done $0x0  }
0x95: {  	[sflag:s15] =	ssyncadd.s32 $0xFFFFFFFF  }
0x96: {  	s16 =	sld [smem:$0x10];
	(tm) =	ssettm $0x1  }
0x97: {  	s17 =	sld [smem:$0x3FFB];
	_ =	sdelay $0x3  }
0x98: {  	_ =	strace s17  }
0x99: {  	s3 =	sld [smem:$0x3FFC];
	_ =	sdelay $0x3  }
0x9a: {  	_ =	strace s3  }
0x9b: {  	s3 =	sld [smem:$0x3FFD];
	_ =	sdelay $0x3  }
0x9c: {  	_ =	strace s3  }
0x9d: {  	_ =	strace $0x8FFFFFFF  }
0x9e: {  	s18 =	sld [smem:$0x3FDB];
	_ =	sdelay $0x1  }
0x9f: {  	s19 =	simm.s32 $_scs_section_size  }
0xa0: {  	s5 =	simm.s32 $_size__tile_overlayer_lowered;
	s6 =	simm.s32 $_tile_overlayer_lowered  }
0xa1: {  	s22 =	simm.s32 $0x1BFF;
	s21 =	sshll.u32 s6, $0x1;
	s3 =	sadd.s32 s19, s18  }
0xa2: {  	s7 =	simm.s32 $0x0;
	s20 =	sshll.u32 s5, $0x1;
	s5 =	sadd.s32 s21, s3  }
0xa3: {  	[timem:s7], [sflag:s22] =	dma.local [hbm:s5], s20  }
0xa4: {  	_ =	swait.ge [sflag:s22], s20  }
0xa5: {  	s4 =	ssub.s32 $0x0, s20;
	[sflag:s22] =	ssyncset.done $0x0  }
0xa6: {  	[sflag:s22] =	ssyncadd.s32 s4;
	_ =	sdelay $0x1  }
0xa7: {  	s23 =	simm.s32 $0x1B8B  }
0xa8: {  	_ =	swait.ge [sflag:s23], $0x1  }
0xa9: {  	[sflag:s23] =	ssyncset.done $0x0  }
0xaa: {  	s25 =	simm.s32 $0x1B8E;
	s24 =	sld [smem:$0x3FFE];
	[sflag:s23] =	ssyncadd.s32 $0xFFFFFFFF  }
0xab: {  	s26 =	simm.s32 $execute0_lowered;
	[smem:$0x3FD2] =	sst s25  }
0xac: {  	s5 =	sshll.u32 s26, $0x1;
	_ =	strace $0x80000049;
	[dreg:$0x1] =	wrdreg $0xFFFFFFFF  }
0xad: {  	s28 =	simm.s32 $_size_execute0_lowered;
	s3 =	sadd.s32 s3, s5;
	[dreg:$0x0] =	wrdreg $0x0  }
0xae: {  	s5 =	sshll.u32 s28, $0x1;
	[dreg:$0x2] =	wrdreg s3  }
0xaf: {  	[dreg:$0x3] =	wrdreg s5  }
0xb0: {  	[dreg:$0x4] =	wrdreg $0xC0  }
0xb1: {  	_ =	task [dreg:s7], $0x5FFFF  }
0xb2: {  	[dreg:$0x1] =	wrdreg $0xFFFFFFFF  }
0xb3: {  	[dreg:$0x0] =	wrdreg $0x60  }
0xb4: {  	[dreg:$0x2] =	wrdreg s24  }
0xb5: {  	[dreg:$0x3] =	wrdreg s16  }
0xb6: {  	[dreg:$0x4] =	wrdreg $0x9  }
0xb7: {  	_ =	task.clear_ibuf [dreg:s7], $0x5FFFF;
	_ =	strace $0x90000049  }
0xb8: {  	s29 =	simm.s32 $0x9;
	_ =	strace $0x8000004B  }
0xb9: {  	_ =	swait.ge [sflag:s29], $0x1  }
0xba: {  	[sflag:s29] =	ssyncadd.s32 $0xFFFFFFFF  }
0xbb: {  	_ =	strace $0x9000004B  }
0xbc: {  	_ =	sfence  }
0xbd: {  	s30 =	sld [smem:$0x0];
	_ =	sdelay $0x2  }
0xbe: {  	s31 =	sshll.u32 s1, $0xD;
	s1 =	sshrl.u32 s1, $0x2  }
0xbf: {  	s3 =	sand.u32 $0x4000, s31;
	s1 =	sadd.s32 s1, s30  }
0xc0: {  	s0 =	sor.u32 s3, s0;
	s1 =	sshll.u32 s1, $0x11  }
0xc1: {  	s0 =	sor.u32 s1, s0  }
0xc2: {  	s0 =	sadd.s32 $0x8F2B, s0  }
0xc3: {  	[sflag:s0] =	ssyncadd.remote.s32 $0x1  }
0xc4: {  	_ =	sfence.sel $0xFFFF  }
0xc5: {  	[dreg:$0x0] =	wrdreg $0xFFFFFFFF;
	(pc) =	sbr.abs _section_cstart, $3  }
0xc6: {  	[dreg:$0x1] =	wrdreg $0xFFFFFFFF  }
0xc7: {  	_ =	task.clear_ibuf [dreg:s7], $0x2FFFF;
	_ =	strace $0x9FFFFFFF  }
0xc8: {  	(tm) =	ssettm $0x7FFFFFFF  }
0xc9: {  	_ =	shalt  }
tec
execute0_lowered:
.L_overlay_start_1:
0x0: {  	(tag) =	ssettag $0x1  }
0x1: {  	s7 =	rddreg [dreg:$0x0]  }
0x2: {  	s2 =	rddreg [dreg:$0x1]  }
0x3: {  	s0 =	rddreg [dreg:$0x2]  }
0x4: {  	s1 =	srdreg.scid;
	_ =	strace $0x8000004A;
	s4 =	simm.s32 $0x1  }
0x5: {  	s9 =	simm.s32 $0x3;
	s11 =	simm.s32 $0x0;
	s5 =	sshll.u32 s1, $0x4  }
.Ltmp0:
0x6: {  	s1 =	stileid.u32;
	s5 =	sand.u32 $0x10, s5;
	(pc) =	sbr.rel .LBB2_1-.Ltmp0, $4  }
0x7: {  	p0 =	por $0x0, $0x0;
	s3 =	sadd.s32 $0x400, s7;
	s6 =	sor.u32 s1, s5  }
0x8: {  	[sflag:s4] =	ssyncpa.u1 $0x0;
	s5 =	simm.s32 $0x2;
	s6 =	sshll.u32 s6, $0xB  }
0x9: {  	s7 =	sadd.s32 $0x200800, s7;
	[sflag:s5] =	ssyncpa.u1 $0x0;
	s8 =	sadd.s32 $0x800, s6  }
0xa: {  	vm0 =	vmmov $0xff;
	vm1 =	vcmask $0x3F20;
	[sflag:s9] =	ssyncpa.u1 $0x0;
	s10 =	smov.u32 s6;
	s9 =	simm.s32 $0x0  }
.LBB2_7:
0xb: {  	p1 =	slt.u32 s9, $0x2;
	s11 =	sadd.s32 $0x100, s10  }
0xc: {  	s13 =	smov.u32 s6;
	s9 =	sadd.s32 $0x1, s9;
	p2 =	slt.s32 s11, s8  }
0xd: {  	s13 =	smov.u32 @p2 s11;
	p2 =	sne.s32 s9, $0xA  }
.Ltmp1:
0xe: {  	_ = 	snop;
	(pc) =	sbr.rel @!p2 .LBB2_8-.Ltmp1, $4  }
0xf: {  	s12 =	simm.s32 @!p1 $0x3  }
0x10: {  	_ =	swait.ge @!p1 [sflag:s12], $0x8000  }
0x11: {  	p0 =	por !p0, !p0;
	[sflag:s12] =	ssyncset.done @!p1 $0x0  }
0x12: {  	s11 =	smov.u32 s10;
	s10 =	smov.u32 s13;
	[sflag:s12] =	ssyncadd.s32 @!p1 $0xFFFF8000  }
.LBB2_1:
0x13: {  	p1 =	sgt.u32 s9, $0x7  }
0x14: {  	s12 =	sxor.u32 @!p1 $0xFFFFFFFF, s9  }
0x15: {  	s13 =	sshrl.u32 @!p1 s10, $0x3;
	s12 =	sshll.u32 @!p1 s12, $0x8  }
0x16: {  	s14 =	sand.u32 @!p1 $0x7, s10;
	s13 =	sadd.s32 @!p1 s2, s13;
	s12 =	sand.u32 @!p1 $0x100, s12  }
0x17: {  	[tilespmem:s12], [sflag:$0x2] =	stream.linear.gather @!p1 [hbm4b:s13+s14], $0x100, $0x38;
	[tilespmem:$0x10200] =	vst v63  }
0x18: {  	p1 =	seq.s32 s9, $0x0  }
0x19: {  	p2 =	seq.s32 @!p1 s9, $0x9  }
0x1a: {  	p1 =	por p1, p2  }
.Ltmp2:
0x1b: {  	_ = 	snop;
	(pc) =	sbr.rel @p1 .LBB2_7-.Ltmp2, $1  }
0x1c: {  	_ =	sdelay $0x3  }
0x1d: {  	s12 =	simm.s32 $0x1  }
0x1e: {  	_ =	swait.ge [sflag:s5], $0x100;
	s12 =	simm.s32 @!p0 $0x0  }
0x1f: {  	[sflag:s5] =	ssyncset.done $0x0;
	s14 =	sshll.u32 s12, $0x8  }
0x20: {  	[sflag:s5] =	ssyncadd.s32 $0xFFFFFF00;
	s13 =	sadd.s32 $0x0, s14  }
0x21: {  	v0 =	vld.msk [tilespmem:s13+$0x0 ss:$0x1], $0xffff;
	_ =	sdelay $0x4  }
0x22: {  	v1 =	vshll.u32 v0, $0x4  }
0x23: {  	vm2 =	veq.s32 v0, $0x80000000;
	v0 =	vshll.u32 v0, $0x15;
	v1 =	vand.u32 $0x1FFF80, v1  }
0x24: {  	v0 =	vand.u32 $0xE00000, v0;
	v1 =	vsel vm2, $0xFFFFFF80, v1  }
0x25: {  	v0 =	vsel vm2, $0xFFE00000, v0;
	v2 =	vand.u32 $0xFFFFFC00, v1  }
0x26: {  	v1 =	vand.u32 $0x380, v1;
	v0 =	vadd.s32 v0, v2  }
0x27: {  	v0 =	vor.u32 v1, v0  }
0x28: {  	v0 =	vshrl.u32 v0, $0x3;
	_ =	sdelay $0x2  }
0x29: {  	s12 =	sshll.u32 s12, $0xF  }
0x2a: {  	s12 =	sor.u32 $0x200, s12  }
0x2b: {  	[tilespmem:s12], [sflag:$0x1] =	stream.indirect_vreg.gather [hbm:s3], $0x80, v0, vm0, $0x38;
	[tilespmem:$0x10200] =	vst v63  }
0x2c: {  	s15 =	sadd.s32 $0x10, s14;
	s13 =	sadd.s32 $0x400, s12  }
0x2d: {  	[tilespmem:s13], [sflag:$0x1] =	stream.indirect_vreg.gather [hbm:s3], $0x80, v0, vm1, $0x38;
	[tilespmem:$0x10200] =	vst v63  }
0x2e: {  	s16 =	simm.s32 $0x80;
	v0 =	vld.msk [tilespmem:s15+$0x0 ss:$0x1], $0xffff;
	s15 =	smov.u32 s12  }
.LBB2_3:
0x2f: {  	p1 =	sne.s32 s16, $0x3C0;
	_ =	sdelay $0x4  }
0x30: {  	v1 =	vshll.u32 v0, $0x4  }
0x31: {  	vm2 =	veq.s32 v0, $0x80000000;
	v0 =	vshll.u32 v0, $0x15;
	v1 =	vand.u32 $0x1FFF80, v1  }
0x32: {  	v0 =	vand.u32 $0xE00000, v0;
	v1 =	vsel vm2, $0xFFFFFF80, v1  }
0x33: {  	v0 =	vsel vm2, $0xFFE00000, v0;
	v2 =	vand.u32 $0xFFFFFC00, v1  }
0x34: {  	v1 =	vand.u32 $0x380, v1;
	v0 =	vadd.s32 v0, v2  }
0x35: {  	v0 =	vor.u32 v1, v0  }
0x36: {  	v0 =	vshrl.u32 v0, $0x3;
	_ =	sdelay $0x3  }
.Ltmp3:
0x37: {  	s17 =	sshra.s32 s16, $0x2;
	s15 =	sadd.s32 $0x800, s15;
	(pc) =	sbr.rel @p1 .LBB2_3-.Ltmp3, $4  }
0x38: {  	[tilespmem:s15], [sflag:$0x1] =	stream.indirect_vreg.gather [hbm:s3], $0x80, v0, vm0, $0x38;
	[tilespmem:$0x10200] =	vst v63  }
0x39: {  	s17 =	sadd.s32 s17, s14;
	s18 =	sadd.s32 $0x400, s15  }
0x3a: {  	[tilespmem:s18], [sflag:$0x1] =	stream.indirect_vreg.gather [hbm:s3], $0x80, v0, vm1, $0x38;
	[tilespmem:$0x10200] =	vst v63  }
0x3b: {  	s16 =	sadd.s32 $0x40, s16;
	v0 =	vld.msk [tilespmem:s17+$0x0 ss:$0x1], $0xffff  }
0x3c: {  	_ =	sdelay $0x3  }
0x3d: {  	v1 =	vshll.u32 v0, $0x4  }
0x3e: {  	vm2 =	veq.s32 v0, $0x80000000;
	v63 =	vshll.u32 v0, $0x15;
	v1 =	vand.u32 $0x1FFF80, v1  }
0x3f: {  	v0 =	vand.u32 $0xE00000, v63;
	v1 =	vsel vm2, $0xFFFFFF80, v1  }
0x40: {  	v0 =	vsel vm2, $0xFFE00000, v0;
	v2 =	vand.u32 $0xFFFFFC00, v1  }
0x41: {  	v1 =	vand.u32 $0x380, v1;
	v0 =	vadd.s32 v0, v2  }
0x42: {  	v0 =	vor.u32 v1, v0  }
0x43: {  	v0 =	vshrl.u32 v0, $0x3;
	_ =	sdelay $0x3  }
0x44: {  	s14 =	sadd.s32 $0x800, s15  }
0x45: {  	[tilespmem:s14], [sflag:$0x1] =	stream.indirect_vreg.gather [hbm:s3], $0x80, v0, vm0, $0x38;
	[tilespmem:$0x10200] =	vst v63  }
0x46: {  	s14 =	sadd.s32 $0x400, s14  }
0x47: {  	[tilespmem:s14], [sflag:$0x1] =	stream.indirect_vreg.gather [hbm:s3], $0x80, v0, vm1, $0x38;
	[tilespmem:$0x10200] =	vst v63  }
0x48: {  	s11 =	sshll.u32 s11, $0x4;
	_ =	swait.ge [sflag:s4], $0x8000  }
0x49: {  	s11 =	sadd.s32 s11, s7;
	[sflag:s4] =	ssyncset.done $0x0  }
0x4a: {  	s15 =	sadd.s32 $0x0, s11;
	s14 =	simm.s32 $0x80;
	[sflag:s4] =	ssyncadd.s32 $0xFFFF8000  }
.LBB2_5:
0x4b: {  	[hbm:s15] =	stream.linear.scatter [tilespmem:s12], [sflag:$0x3], $0x400, $0x38;
	[tilespmem:$0x10200] =	vst v63  }
0x4c: {  	s15 =	smov.u32 s14;
	s12 =	smov.u32 s13;
	p1 =	sne.s32 s14, $0xF80  }
.Ltmp4:
0x4d: {  	s14 =	sadd.s32 $0x80, s14;
	(pc) =	sbr.rel @p1 .LBB2_5-.Ltmp4, $2  }
0x4e: {  	_ =	sdelay $0x2  }
0x4f: {  	s13 =	sadd.s32 $0x400, s13;
	s15 =	sadd.s32 s15, s11  }
.Ltmp5:
0x50: {  	(pc) =	sbr.rel .LBB2_7-.Ltmp5, $2  }
0x51: {  	_ =	sdelay $0x2  }
0x52: {  	[hbm:s15] =	stream.linear.scatter [tilespmem:s12], [sflag:$0x3], $0x400, $0x38;
	[tilespmem:$0x10200] =	vst v63  }
.LBB2_8:
0x53: {  	_ =	sfence.sel $0x180000  }
0x54: {  	s2 =	simm.s32 $0x2;
	[bflag:$0x0] =	sbarrier.arrive $0xFFFF  }
0x55: {  	s30 =	simm.s32 $0x3;
	[sflag:s2] =	ssyncpa.u1 $0x1  }
0x56: {  	s31 =	simm.s32 $0x1;
	[sflag:s30] =	ssyncpa.u1 $0x1  }
0x57: {  	[sflag:s31] =	ssyncpa.u1 $0x1  }
0x58: {  	p0 =	sne.s32 s1, $0x0;
	_ =	strace $0x9000004A  }
0x59: {  	s0 =	sadd.s32 @!p0 $0x100000, s0;
	[bflag:$0x2] =	sbarrier.arrive $0xFFFF  }
0x5a: {  	[sflag:s0] =	ssyncadd.tile.s32 @!p0 $0x1;
	_ =	shalt  }
.Lfunc_end2:
_tile_overlayer_lowered:
.L_overlay_start_2:
0x5b: {  	(tag) =	ssettag $0x2  }
0x5c: {  	s0 =	rddreg [dreg:$0x0];
	s2 =	stileid.u32  }
0x5d: {  	s1 =	rddreg [dreg:$0x1];
	p0 =	sne.s32 s2, $0x0  }
0x5e: {  	s3 =	rddreg [dreg:$0x2];
	[bflag:$0x3] =	sbarrier.arrive $0xFFFF;
	s2 =	simm.s32 @!p0 $0x1C01  }
0x5f: {  	[timem:s3], [sflag:s2] =	dma.local @!p0 [hbm:s0], s1  }
0x60: {  	s0 =	simm.s32 @!p0 $0x1  }
0x61: {  	_ =	swait.ge @!p0 [sflag:s0], s1  }
0x62: {  	s1 =	ssub.s32 @!p0 $0x0, s1;
	[sflag:s0] =	ssyncset.done @!p0 $0x0  }
0x63: {  	[sflag:s0] =	ssyncadd.s32 @!p0 s1  }
0x64: {  	[bflag:$0x3] =	sbarrier.arrive $0xFFFF  }
0x65: {  	_ =	shalt  }

// kernel: sparse-core-data-format-call.cloned.1.call-start
scs
called_computation_lowered:
.L_overlay_start_0:
0x0: {  	s1 =	sld [smem:$0x3FD9]  }
0x1: {  	s2 =	sld [smem:$0x3FFE];
	_ =	sdelay $0x1  }
0x2: {  	s3 =	srdreg.scid  }
0x3: {  	s0 =	sand.u32 $0x1, s3  }
0x4: {  	s17 =	sshll.u32 s0, $0xA;
	s1 =	sadd.s32 s2, s1  }
0x5: {  	s1 =	sadd.s32 s1, s17  }
0x6: {  	[smem:$0x3FC1] =	sst s1  }
0x7: {  	_ = 	snop  }
0x8: {  	(tm) =	ssettm $0x1  }
0x9: {  	s18 =	sld [smem:$0x3FFB];
	_ =	sdelay $0x3  }
0xa: {  	_ =	strace s18  }
0xb: {  	s1 =	sld [smem:$0x3FFC];
	_ =	sdelay $0x3  }
0xc: {  	_ =	strace s1  }
0xd: {  	s1 =	sld [smem:$0x3FFD];
	_ =	sdelay $0x3  }
0xe: {  	_ =	strace s1  }
0xf: {  	_ =	strace $0x8FFFFFFF  }
0x10: {  	s19 =	sld [smem:$0x3FDB];
	_ =	sdelay $0x1  }
0x11: {  	s20 =	simm.s32 $_scs_section_size  }
0x12: {  	s4 =	simm.s32 $_size__tile_overlayer_lowered;
	s5 =	simm.s32 $_tile_overlayer_lowered  }
0x13: {  	s23 =	simm.s32 $0x1BFF;
	s22 =	sshll.u32 s5, $0x1;
	s1 =	sadd.s32 s20, s19  }
0x14: {  	s6 =	simm.s32 $0x0;
	s21 =	sshll.u32 s4, $0x1;
	s4 =	sadd.s32 s22, s1  }
0x15: {  	[timem:s6], [sflag:s23] =	dma.local [hbm:s4], s21  }
0x16: {  	_ =	swait.ge [sflag:s23], s21  }
0x17: {  	s2 =	ssub.s32 $0x0, s21;
	[sflag:s23] =	ssyncset.done $0x0  }
0x18: {  	[sflag:s23] =	ssyncadd.s32 s2;
	_ =	sdelay $0x1  }
0x19: {  	s24 =	simm.s32 $0x1B8B  }
0x1a: {  	_ =	swait.ge [sflag:s24], $0x1  }
0x1b: {  	[sflag:s24] =	ssyncset.done $0x0  }
0x1c: {  	s26 =	simm.s32 $0x1B8E;
	s25 =	sld [smem:$0x3FFE];
	[sflag:s24] =	ssyncadd.s32 $0xFFFFFFFF  }
0x1d: {  	s27 =	simm.s32 $execute0_lowered;
	[smem:$0x3FD2] =	sst s26  }
0x1e: {  	s4 =	sshll.u32 s27, $0x1;
	_ =	strace $0x80000046;
	[dreg:$0x1] =	wrdreg $0xFFFFFFFF  }
0x1f: {  	s28 =	simm.s32 $_size_execute0_lowered;
	s1 =	sadd.s32 s1, s4;
	[dreg:$0x0] =	wrdreg $0x0  }
0x20: {  	s4 =	sshll.u32 s28, $0x1;
	[dreg:$0x2] =	wrdreg s1  }
0x21: {  	[dreg:$0x3] =	wrdreg s4  }
0x22: {  	[dreg:$0x4] =	wrdreg $0xC0  }
0x23: {  	_ =	task [dreg:s6], $0x5FFFF  }
0x24: {  	[dreg:$0x1] =	wrdreg $0xFFFFFFFF  }
0x25: {  	[dreg:$0x0] =	wrdreg $0x60  }
0x26: {  	[dreg:$0x2] =	wrdreg s25  }
0x27: {  	[dreg:$0x3] =	wrdreg $0x9  }
0x28: {  	_ =	task.clear_ibuf [dreg:s6], $0x4FFFF;
	_ =	strace $0x90000046  }
0x29: {  	s29 =	simm.s32 $0x9;
	_ =	strace $0x80000048  }
0x2a: {  	_ =	swait.ge [sflag:s29], $0x1  }
0x2b: {  	[sflag:s29] =	ssyncadd.s32 $0xFFFFFFFF  }
0x2c: {  	_ =	strace $0x90000048  }
0x2d: {  	_ =	sfence  }
0x2e: {  	s30 =	sld [smem:$0x0];
	_ =	sdelay $0x2  }
0x2f: {  	s31 =	sshll.u32 s3, $0xD;
	s3 =	sshrl.u32 s3, $0x2  }
0x30: {  	s2 =	sand.u32 $0x4000, s31;
	s1 =	sadd.s32 s3, s30  }
0x31: {  	s0 =	sor.u32 s2, s0;
	s1 =	sshll.u32 s1, $0x11  }
0x32: {  	s0 =	sor.u32 s1, s0  }
0x33: {  	s0 =	sadd.s32 $0x8F2B, s0  }
0x34: {  	[sflag:s0] =	ssyncadd.remote.s32 $0x1  }
0x35: {  	_ =	sfence.sel $0xFFFF  }
0x36: {  	[dreg:$0x0] =	wrdreg $0xFFFFFFFF;
	(pc) =	sbr.abs _section_cstart, $3  }
0x37: {  	[dreg:$0x1] =	wrdreg $0xFFFFFFFF  }
0x38: {  	_ =	task.clear_ibuf [dreg:s6], $0x2FFFF;
	_ =	strace $0x9FFFFFFF  }
0x39: {  	(tm) =	ssettm $0x7FFFFFFF  }
tec
execute0_lowered:
.L_overlay_start_1:
0x0: {  	(tag) =	ssettag $0x1  }
0x1: {  	s0 =	stileid.u32;
	s1 =	srdreg.scid  }
0x2: {  	s7 =	rddreg [dreg:$0x0];
	s9 =	simm.s32 $0x2;
	s17 =	simm.s32 $0x0  }
0x3: {  	p0 =	por $0x0, $0x0;
	s10 =	simm.s32 $0x800;
	s15 =	simm.s32 $0x0  }
0x4: {  	s16 =	simm.s32 $0x0;
	s2 =	sshll.u32 s0, $0x4;
	s1 =	sshll.u32 s1, $0x7  }
0x5: {  	s14 =	simm.s32 $0x0;
	s2 =	sand.u32 $0x80, s2;
	s3 =	sand.u32 $0x80, s1  }
0x6: {  	s1 =	rddreg [dreg:$0x1];
	_ =	strace $0x80000047;
	s4 =	ssub.s32 $0x100, s2  }
0x7: {  	s5 =	ssub.s32 $0x4000, s3;
	s11 =	smov.u32 s3;
	s6 =	sshrl.u32 s4, $0x8  }
0x8: {  	s4 =	sshrl.u32 s4, $0x7;
	s8 =	sshrl.u32 s5, $0x7;
	s5 =	sshrl.u32 s5, $0x8  }
.Ltmp0:
0x9: {  	s4 =	sand.u32 $0x1, s4;
	s8 =	sand.u32 $0x1, s8;
	(pc) =	sbr.rel .LBB1_1-.Ltmp0, $4  }
0xa: {  	s12 =	smov.u32 s2;
	s6 =	sadd.s32 s6, s4;
	s8 =	sadd.s32 s5, s8  }
0xb: {  	s4 =	sadd.s32 $0x200800, s7;
	s5 =	simm.s32 $0x1;
	s6 =	smul.u32 s6, s8  }
0xc: {  	s7 =	sadd.s32 $0x600800, s7;
	[sflag:s5] =	ssyncpa.u1 $0x0;
	s8 =	sand.u32 $0x7, s0  }
0xd: {  	[sflag:s9] =	ssyncpa.u1 $0x0;
	s13 =	smov.u32 s8;
	s9 =	sadd.s32 $0x1, s6  }
.LBB1_4:
0xe: {  	v5 =	vld [tilespmem:s21+$0xFFFFFFD0]  }
0xf: {  	[tilespmem:s19+$0x2040 ss:$0x81] =	vst.msk $0xffff, v1;
	v58 =	vld [tilespmem:s21+$0xFFFFFFE0]  }
0x10: {  	[tilespmem:s19+$0x2850 ss:$0x81] =	vst.msk $0xffff, v2;
	v59 =	vld [tilespmem:s21+$0xFFFFFFF0]  }
0x11: {  	s22 =	sshra.s32 s22, $0x2;
	[tilespmem:s19+$0x3060 ss:$0x81] =	vst.msk $0xffff, v3;
	v60 =	vld [tilespmem:s21+$0x0]  }
0x12: {  	v61 =	vld [tilespmem:s21+$0x10];
	[tilespmem:s19+$0x0 ss:$0x81] =	vst.msk $0xffff, v0;
	s20 =	sadd.s32 s22, s20  }
0x13: {  	s25 =	sshll.u32 s17, $0x8;
	v62 =	vld [tilespmem:s21+$0x20];
	[tilespmem:s20+$0x3870 ss:$0x81] =	vst.msk $0xffff, v4  }
0x14: {  	s23 =	sshll.u32 s15, $0x3;
	v63 =	vld [tilespmem:s21+$0xFFFFFFC0];
	s30 =	sand.u32 $0x78, s15;
	s16 =	sshll.u32 s16, $0x13;
	[tilespmem:s20+$0x810 ss:$0x81] =	vst.msk $0xffff, v5  }
0x15: {  	s28 =	sshll.u32 s17, $0x7;
	s26 =	sand.u32 $0x3FF800, s25;
	s27 =	sand.u32 $0x3FFC00, s23;
	[tilespmem:s20+$0x1020 ss:$0x81] =	vst.msk $0xffff, v58  }
0x16: {  	s29 =	sand.u32 $0x300, s28;
	s17 =	sand.u32 $0x80, s28;
	s19 =	sadd.s32 s27, s26;
	[tilespmem:s20+$0x1830 ss:$0x81] =	vst.msk $0xffff, v59  }
0x17: {  	s31 =	sand.u32 $0x7, s15;
	s17 =	sor.u32 s30, s17;
	s19 =	sor.u32 s29, s19;
	[tilespmem:s20+$0x2040 ss:$0x81] =	vst.msk $0xffff, v60  }
0x18: {  	s16 =	sadd.s32 s7, s16;
	s17 =	sshrl.u32 s17, $0x3;
	s19 =	sshrl.u32 s19, $0x3;
	[tilespmem:s20+$0x2850 ss:$0x81] =	vst.msk $0xffff, v61  }
0x19: {  	s15 =	sshll.u32 s31, $0x12;
	s16 =	sadd.s32 s17, s16;
	[tilespmem:s20+$0x3060 ss:$0x81] =	vst.msk $0xffff, v62;
	s19 =	sand.u32 $0x7FFE0, s19  }
0x1a: {  	s15 =	sor.u32 $0x400, s15;
	[tilespmem:s20+$0x0 ss:$0x81] =	vst.msk $0xffff, v63;
	s16 =	sadd.s32 s19, s16  }
0x1b: {  	[hbm4b:s16+s15] =	stream.strided.scatter [tilespmem:s18], [sflag:$0x2], $0x4000, s10, s15, $0x20;
	[tilespmem:$0x10100] =	vst v63  }
.LBB1_5:
0x1c: {  	s18 =	sadd.s32 $0x100, s11  }
0x1d: {  	s15 =	sadd.s32 $0x100, s12;
	s19 =	smov.u32 s12;
	p2 =	sgt.s32 s18, $0x3FFF  }
0x1e: {  	s19 =	smov.u32 @p2 s15  }
0x1f: {  	s21 =	smov.u32 s13;
	s15 =	sadd.s32 $0x8, s13;
	p3 =	sgt.s32 s19, $0xFF  }
0x20: {  	s21 =	smov.u32 @p3 s15  }
0x21: {  	s18 =	smov.u32 @p2 s3;
	p2 =	sgt.s32 s21, $0x7  }
0x22: {  	p1 =	slt.u32 s14, $0x2;
	s21 =	smov.u32 @p2 s8;
	p2 =	sne.s32 s14, s9  }
.Ltmp1:
0x23: {  	s20 =	simm.s32 @!p1 $0x2;
	(pc) =	sbr.rel @!p2 .LBB1_6-.Ltmp1, $4  }
0x24: {  	s17 =	smov.u32 s11;
	s16 =	smov.u32 s13;
	_ =	swait.ge @!p1 [sflag:s20], $0x4000  }
0x25: {  	p0 =	por !p0, !p0;
	[sflag:s20] =	ssyncset.done @!p1 $0x0;
	s11 =	smov.u32 s18  }
0x26: {  	s19 =	smov.u32 @p3 s2;
	s15 =	smov.u32 s12;
	[sflag:s20] =	ssyncadd.s32 @!p1 $0xFFFFC000  }
0x27: {  	s12 =	smov.u32 s19;
	s14 =	sadd.s32 $0x1, s14;
	s13 =	smov.u32 s21  }
.LBB1_1:
0x28: {  	p1 =	sge.u32 s14, s6;
	s31 =	sadd.s32 $0xFFFFFFFF, s14  }
0x29: {  	s18 =	sxor.u32 @!p1 $0xFFFFFFFF, s14;
	s19 =	sand.u32 @!p1 $0x78, s11;
	s20 =	sshll.u32 @!p1 s12, $0xE  }
0x2a: {  	s21 =	sshll.u32 @!p1 s12, $0x7;
	s22 =	sshll.u32 @!p1 s11, $0x3;
	s18 =	sshll.u32 @!p1 s18, $0xE  }
0x2b: {  	s20 =	sand.u32 @!p1 $0x3E0000, s20;
	s21 =	sand.u32 @!p1 $0x380, s21;
	s18 =	sand.u32 @!p1 $0x4000, s18  }
0x2c: {  	s20 =	sadd.s32 @!p1 s20, s22;
	s22 =	sand.u32 @!p1 $0x3C00, s22;
	s19 =	sor.u32 @!p1 s21, s19  }
0x2d: {  	s21 =	sshll.u32 @!p1 s13, $0x13;
	s19 =	sor.u32 @!p1 s22, s19;
	s20 =	sshrl.u32 @!p1 s20, $0x3  }
0x2e: {  	s21 =	sadd.s32 @!p1 s4, s21;
	s22 =	sand.u32 @!p1 $0x7, s11;
	s20 =	sand.u32 @!p1 $0x7F800, s20  }
0x2f: {  	s19 =	sshrl.u32 @!p1 s19, $0x3;
	s20 =	sadd.s32 @!p1 s20, s21;
	s21 =	sshll.u32 @!p1 s22, $0x12  }
0x30: {  	s19 =	sadd.s32 @!p1 s19, s20;
	s20 =	sor.u32 @!p1 $0x400, s21;
	s21 =	simm.s32 @!p1 $0x20000  }
0x31: {  	[tilespmem:s18], [sflag:$0x1] =	stream.strided.gather @!p1 [hbm4b:s19+s20], $0x4000, s21, s20, $0x38;
	[tilespmem:$0x10100] =	vst v63  }
0x32: {  	p1 =	sge.u32 s31, s6  }
.Ltmp2:
0x33: {  	_ = 	snop;
	(pc) =	sbr.rel @p1 .LBB1_5-.Ltmp2, $1  }
0x34: {  	_ =	sdelay $0x3  }
0x35: {  	s18 =	simm.s32 $0x1  }
0x36: {  	_ =	swait.ge [sflag:s5], $0x4000;
	s18 =	simm.s32 @!p0 $0x0  }
0x37: {  	[sflag:s5] =	ssyncset.done $0x0;
	s19 =	sshll.u32 s18, $0xE  }
0x38: {  	[sflag:s5] =	ssyncadd.s32 $0xFFFFC000;
	s21 =	sor.u32 $0x40, s19  }
0x39: {  	s18 =	smul.u32 $0x10200, s18;
	v0 =	vld [tilespmem:s21+$0x30]  }
0x3a: {  	v3 =	vld [tilespmem:s21+$0xFFFFFFD0]  }
0x3b: {  	s18 =	sshrl.u32 s18, $0x2;
	v4 =	vld [tilespmem:s21+$0xFFFFFFE0]  }
0x3c: {  	v5 =	vld [tilespmem:s21+$0xFFFFFFF0];
	s20 =	sor.u32 $0x8000, s18  }
0x3d: {  	s31 =	sand.u32 $0x1, s14;
	v1 =	vld [tilespmem:s21+$0x0];
	s19 =	sadd.s32 $0x0, s20  }
0x3e: {  	v2 =	vld [tilespmem:s21+$0x10];
	s18 =	smul.u32 $0x10200, s31;
	[tilespmem:s19+$0x3870 ss:$0x81] =	vst.msk $0xffff, v0  }
0x3f: {  	[tilespmem:s19+$0x810 ss:$0x81] =	vst.msk $0xffff, v3;
	v3 =	vld [tilespmem:s21+$0x20]  }
0x40: {  	s18 =	sshrl.u32 s18, $0x2;
	v0 =	vld [tilespmem:s21+$0xFFFFFFC0];
	[tilespmem:s19+$0x1020 ss:$0x81] =	vst.msk $0xffff, v4;
	s21 =	sadd.s32 $0x80, s21  }
0x41: {  	s22 =	simm.s32 $0x4;
	s23 =	simm.s32 $0x8;
	s18 =	sor.u32 $0x8000, s18;
	[tilespmem:s19+$0x1830 ss:$0x81] =	vst.msk $0xffff, v5;
	v4 =	vld [tilespmem:s21+$0x30]  }
.LBB1_3:
0x42: {  	p1 =	sne.s32 s23, $0x1FC;
	v5 =	vld [tilespmem:s21+$0xFFFFFFD0];
	[tilespmem:s19+$0x2040 ss:$0x81] =	vst.msk $0xffff, v1  }
0x43: {  	v6 =	vld [tilespmem:s21+$0xFFFFFFE0];
	[tilespmem:s19+$0x2850 ss:$0x81] =	vst.msk $0xffff, v2  }
0x44: {  	s24 =	sshra.s32 s22, $0x2;
	s22 =	smov.u32 s23;
	v7 =	vld [tilespmem:s21+$0xFFFFFFF0];
	[tilespmem:s19+$0x3060 ss:$0x81] =	vst.msk $0xffff, v3  }
.Ltmp3:
0x45: {  	v1 =	vld [tilespmem:s21+$0x0];
	[tilespmem:s19+$0x0 ss:$0x81] =	vst.msk $0xffff, v0;
	s19 =	sadd.s32 s24, s20;
	(pc) =	sbr.rel @p1 .LBB1_3-.Ltmp3, $4  }
0x46: {  	v2 =	vld [tilespmem:s21+$0x10];
	[tilespmem:s19+$0x3870 ss:$0x81] =	vst.msk $0xffff, v4  }
0x47: {  	[tilespmem:s19+$0x810 ss:$0x81] =	vst.msk $0xffff, v5;
	v3 =	vld [tilespmem:s21+$0x20]  }
0x48: {  	v0 =	vld [tilespmem:s21+$0xFFFFFFC0];
	[tilespmem:s19+$0x1020 ss:$0x81] =	vst.msk $0xffff, v6;
	s21 =	sadd.s32 $0x80, s21  }
0x49: {  	s23 =	sadd.s32 $0x4, s23;
	v4 =	vld [tilespmem:s21+$0x30];
	[tilespmem:s19+$0x1830 ss:$0x81] =	vst.msk $0xffff, v7  }
.Ltmp4:
0x4a: {  	_ = 	snop;
	(pc) =	sbr.rel .LBB1_4-.Ltmp4, $1  }
0x4b: {  	_ =	sdelay $0x3  }
.LBB1_6:
0x4c: {  	_ =	sfence.sel $0x180000  }
0x4d: {  	s2 =	simm.s32 $0x1;
	[bflag:$0x0] =	sbarrier.arrive $0xFFFF  }
0x4e: {  	s31 =	simm.s32 $0x2;
	[sflag:s2] =	ssyncpa.u1 $0x1  }
0x4f: {  	[sflag:s31] =	ssyncpa.u1 $0x1  }
0x50: {  	p0 =	sne.s32 s0, $0x0;
	_ =	strace $0x90000047  }
0x51: {  	s0 =	sadd.s32 @!p0 $0x100000, s1;
	[bflag:$0x2] =	sbarrier.arrive $0xFFFF  }
0x52: {  	[sflag:s0] =	ssyncadd.tile.s32 @!p0 $0x1;
	_ =	shalt  }
.Lfunc_end1:
_tile_overlayer_lowered:
.L_overlay_start_2:
0x53: {  	(tag) =	ssettag $0x2  }
0x54: {  	s0 =	rddreg [dreg:$0x0];
	s2 =	stileid.u32  }
0x55: {  	s1 =	rddreg [dreg:$0x1];
	p0 =	sne.s32 s2, $0x0  }
0x56: {  	s3 =	rddreg [dreg:$0x2];
	[bflag:$0x3] =	sbarrier.arrive $0xFFFF;
	s2 =	simm.s32 @!p0 $0x1C01  }
0x57: {  	[timem:s3], [sflag:s2] =	dma.local @!p0 [hbm:s0], s1  }
0x58: {  	s0 =	simm.s32 @!p0 $0x1  }
0x59: {  	_ =	swait.ge @!p0 [sflag:s0], s1  }
0x5a: {  	s1 =	ssub.s32 @!p0 $0x0, s1;
	[sflag:s0] =	ssyncset.done @!p0 $0x0  }
0x5b: {  	[sflag:s0] =	ssyncadd.s32 @!p0 s1  }
0x5c: {  	[bflag:$0x3] =	sbarrier.arrive $0xFFFF  }
0x5d: {  	_ =	shalt  }

</sc_bundles>
